<compile_context>
chip_gen: v7x
topology: tpu7x:2x2x1
jax: 0.10.2.dev20260603
libtpu: 0.0.44.dev20260713+nightly
codegen_flags: <defaults>
</compile_context>

<pallas_src>
import jax
import jax.numpy as jnp
from jax.experimental import pallas as pl
from jax.experimental.pallas import tpu as pltpu

_B, _L, _D = 4096, 128, 64
_NWAY = 4


def _copy_body(p_ref, *refs):
    del p_ref
    xs, o_ref = refs[:_NWAY], refs[_NWAY]
    for k, x_ref in enumerate(xs):
        o_ref[:, k] = x_ref[:, 0]


def _permute_rows(x, p_array):
    nb = x.shape[0]
    x4 = x.reshape(nb, _L, 1, _D)

    def in_map(k):
        return lambda i, p: (0, p[_NWAY * i + k], 0, 0)

    out = pl.pallas_call(
        _copy_body,
        grid_spec=pltpu.PrefetchScalarGridSpec(
            num_scalar_prefetch=1,
            grid=(_L // _NWAY,),
            in_specs=[pl.BlockSpec((nb, 1, 1, _D), in_map(k))
                      for k in range(_NWAY)],
            out_specs=pl.BlockSpec((nb, _NWAY, 1, _D),
                                   lambda i, p: (0, i, 0, 0)),
        ),
        out_shape=jax.ShapeDtypeStruct(x4.shape, jnp.float32),
    )(p_array, *([x4] * _NWAY))
    return out.reshape(nb, _L, _D)


def kernel(inputs, p_array):
    return _permute_rows(inputs, p_array)

# --- scband reference (transcript-rebuilt; emitter-appended) ---
"""Pipeline reference for scband-interleaver-11493332484620 (READ-ONLY COPY).

The authoritative reference and input builder live on the scoring server;
editing this copy changes nothing except your own understanding.
"""

import jax, jax.numpy as jnp
import numpy as np


def setup_inputs(seed: int = 0) -> dict:
    key = jax.random.key(seed)
    inputs = jax.random.normal(key, (4096, 128, 64), dtype=jnp.float32)
    # interleaver permutation (matches init_kwargs: reversal of 0..127)
    p_array = jnp.flip(jnp.arange(128, dtype=jnp.int32))
    return {"inputs": inputs, "p_array": p_array}


def reference(inputs, p_array):
    # inputs: [B, L, D] -> permute to [L, B, D]
    x = jnp.transpose(inputs, (1, 0, 2))
    # gather rows along sequence dim by the interleaver permutation
    res = x[p_array]
    # permute back to [B, L, D]
    res = jnp.transpose(res, (1, 0, 2))
    return res

if __name__ == "__main__":
    import jax
    _d = setup_inputs()
    print(jax.jit(kernel)(*tuple(_d.values())))

</pallas_src>

<mosaic_0001>
module attributes {stable_mosaic.version = 14 : i64} {
  func.func @_copy_body(%arg0: i32, %arg1: memref<128xi32, #tpu.memory_space<smem>>, %arg2: memref<4096x1x1x64xf32, #tpu.memory_space<vmem>>, %arg3: memref<4096x1x1x64xf32, #tpu.memory_space<vmem>>, %arg4: memref<4096x1x1x64xf32, #tpu.memory_space<vmem>>, %arg5: memref<4096x1x1x64xf32, #tpu.memory_space<vmem>>, %arg6: memref<4096x4x1x64xf32, #tpu.memory_space<vmem>>) attributes {dimension_semantics = [#tpu.dimension_semantics<arbitrary>], iteration_bounds = array<i64: 32>, scalar_prefetch = 1 : i64, scratch_operands = 0 : i64, tpu.core_type = #tpu.core_type<tc>, window_params = [{transform_indices = @transform_0, window_bounds = array<i64: 4096, 1, 1, 64>}, {transform_indices = @transform_1, window_bounds = array<i64: 4096, 1, 1, 64>}, {transform_indices = @transform_2, window_bounds = array<i64: 4096, 1, 1, 64>}, {transform_indices = @transform_3, window_bounds = array<i64: 4096, 1, 1, 64>}, {transform_indices = @transform_4, window_bounds = array<i64: 4096, 4, 1, 64>}]} {
    %get3A = arith.constant 0 : index
    %get3A_0 = arith.constant 0 : index
    %get3A_1 = arith.constant 0 : index
    %get3A_2 = arith.constant 0 : index
    %get3A_3 = vector.load %arg2[%get3A, %get3A_0, %get3A_1, %get3A_2] : memref<4096x1x1x64xf32, #tpu.memory_space<vmem>>, vector<4096x1x1x64xf32>
    %get3A_4 = vector.shape_cast %get3A_3 : vector<4096x1x1x64xf32> to vector<4096x1x64xf32>
    %swap3A = arith.constant 0 : index
    %swap3A_5 = arith.constant 0 : index
    %swap3A_6 = arith.constant 0 : index
    %swap3A_7 = arith.constant 0 : index
    %swap3A_8 = vector.load %arg6[%swap3A, %swap3A_5, %swap3A_6, %swap3A_7] : memref<4096x4x1x64xf32, #tpu.memory_space<vmem>>, vector<4096x1x1x64xf32>
    %swap3A_9 = vector.shape_cast %swap3A_8 : vector<4096x1x1x64xf32> to vector<4096x1x64xf32>
    %swap3A_10 = vector.shape_cast %get3A_4 : vector<4096x1x64xf32> to vector<4096x1x1x64xf32>
    tpu.vector_store %arg6[%swap3A, %swap3A_5, %swap3A_6, %swap3A_7], %swap3A_10 {strides = array<i32>} : memref<4096x4x1x64xf32, #tpu.memory_space<vmem>>, vector<4096x1x1x64xf32>,
    %get3A_11 = arith.constant 0 : index
    %get3A_12 = arith.constant 0 : index
    %get3A_13 = arith.constant 0 : index
    %get3A_14 = arith.constant 0 : index
    %get3A_15 = vector.load %arg3[%get3A_11, %get3A_12, %get3A_13, %get3A_14] : memref<4096x1x1x64xf32, #tpu.memory_space<vmem>>, vector<4096x1x1x64xf32>
    %get3A_16 = vector.shape_cast %get3A_15 : vector<4096x1x1x64xf32> to vector<4096x1x64xf32>
    %swap3A_17 = arith.constant 0 : index
    %swap3A_18 = arith.constant 1 : index
    %swap3A_19 = arith.constant 0 : index
    %swap3A_20 = arith.constant 0 : index
    %swap3A_21 = vector.load %arg6[%swap3A_17, %swap3A_18, %swap3A_19, %swap3A_20] : memref<4096x4x1x64xf32, #tpu.memory_space<vmem>>, vector<4096x1x1x64xf32>
    %swap3A_22 = vector.shape_cast %swap3A_21 : vector<4096x1x1x64xf32> to vector<4096x1x64xf32>
    %swap3A_23 = vector.shape_cast %get3A_16 : vector<4096x1x64xf32> to vector<4096x1x1x64xf32>
    tpu.vector_store %arg6[%swap3A_17, %swap3A_18, %swap3A_19, %swap3A_20], %swap3A_23 {strides = array<i32>} : memref<4096x4x1x64xf32, #tpu.memory_space<vmem>>, vector<4096x1x1x64xf32>,
    %get3A_24 = arith.constant 0 : index
    %get3A_25 = arith.constant 0 : index
    %get3A_26 = arith.constant 0 : index
    %get3A_27 = arith.constant 0 : index
    %get3A_28 = vector.load %arg4[%get3A_24, %get3A_25, %get3A_26, %get3A_27] : memref<4096x1x1x64xf32, #tpu.memory_space<vmem>>, vector<4096x1x1x64xf32>
    %get3A_29 = vector.shape_cast %get3A_28 : vector<4096x1x1x64xf32> to vector<4096x1x64xf32>
    %swap3A_30 = arith.constant 0 : index
    %swap3A_31 = arith.constant 2 : index
    %swap3A_32 = arith.constant 0 : index
    %swap3A_33 = arith.constant 0 : index
    %swap3A_34 = vector.load %arg6[%swap3A_30, %swap3A_31, %swap3A_32, %swap3A_33] : memref<4096x4x1x64xf32, #tpu.memory_space<vmem>>, vector<4096x1x1x64xf32>
    %swap3A_35 = vector.shape_cast %swap3A_34 : vector<4096x1x1x64xf32> to vector<4096x1x64xf32>
    %swap3A_36 = vector.shape_cast %get3A_29 : vector<4096x1x64xf32> to vector<4096x1x1x64xf32>
    tpu.vector_store %arg6[%swap3A_30, %swap3A_31, %swap3A_32, %swap3A_33], %swap3A_36 {strides = array<i32>} : memref<4096x4x1x64xf32, #tpu.memory_space<vmem>>, vector<4096x1x1x64xf32>,
    %get3A_37 = arith.constant 0 : index
    %get3A_38 = arith.constant 0 : index
    %get3A_39 = arith.constant 0 : index
    %get3A_40 = arith.constant 0 : index
    %get3A_41 = vector.load %arg5[%get3A_37, %get3A_38, %get3A_39, %get3A_40] : memref<4096x1x1x64xf32, #tpu.memory_space<vmem>>, vector<4096x1x1x64xf32>
    %get3A_42 = vector.shape_cast %get3A_41 : vector<4096x1x1x64xf32> to vector<4096x1x64xf32>
    %swap3A_43 = arith.constant 0 : index
    %swap3A_44 = arith.constant 3 : index
    %swap3A_45 = arith.constant 0 : index
    %swap3A_46 = arith.constant 0 : index
    %swap3A_47 = vector.load %arg6[%swap3A_43, %swap3A_44, %swap3A_45, %swap3A_46] : memref<4096x4x1x64xf32, #tpu.memory_space<vmem>>, vector<4096x1x1x64xf32>
    %swap3A_48 = vector.shape_cast %swap3A_47 : vector<4096x1x1x64xf32> to vector<4096x1x64xf32>
    %swap3A_49 = vector.shape_cast %get3A_42 : vector<4096x1x64xf32> to vector<4096x1x1x64xf32>
    tpu.vector_store %arg6[%swap3A_43, %swap3A_44, %swap3A_45, %swap3A_46], %swap3A_49 {strides = array<i32>} : memref<4096x4x1x64xf32, #tpu.memory_space<vmem>>, vector<4096x1x1x64xf32>,
    return
  }
  func.func @transform_0(%arg0: i32, %arg1: memref<128xi32, #tpu.memory_space<smem>>) -> (i32, i32, i32, i32) {
    %mul3A = arith.constant 4 : i32
    %mul3A_0 = arith.muli %mul3A, %arg0 : i32
    %add3A = arith.constant 0 : i32
    %add3A_1 = arith.addi %mul3A_0, %add3A : i32
    %get3A = arith.index_cast %add3A_1 : i32 to index
    %get3A_2 = memref.load %arg1[%get3A] : memref<128xi32, #tpu.memory_space<smem>>
    %c0_i32 = arith.constant 0 : i32
    %c0_i32_3 = arith.constant 0 : i32
    %c0_i32_4 = arith.constant 0 : i32
    %c0_i32_5 = arith.constant 0 : i32
    return %c0_i32, %get3A_2, %c0_i32_3, %c0_i32_4 : i32, i32, i32, i32
  }
  func.func @transform_1(%arg0: i32, %arg1: memref<128xi32, #tpu.memory_space<smem>>) -> (i32, i32, i32, i32) {
    %mul3A = arith.constant 4 : i32
    %mul3A_0 = arith.muli %mul3A, %arg0 : i32
    %add3A = arith.constant 1 : i32
    %add3A_1 = arith.addi %mul3A_0, %add3A : i32
    %get3A = arith.index_cast %add3A_1 : i32 to index
    %get3A_2 = memref.load %arg1[%get3A] : memref<128xi32, #tpu.memory_space<smem>>
    %c0_i32 = arith.constant 0 : i32
    %c0_i32_3 = arith.constant 0 : i32
    %c0_i32_4 = arith.constant 0 : i32
    %c0_i32_5 = arith.constant 0 : i32
    return %c0_i32, %get3A_2, %c0_i32_3, %c0_i32_4 : i32, i32, i32, i32
  }
  func.func @transform_2(%arg0: i32, %arg1: memref<128xi32, #tpu.memory_space<smem>>) -> (i32, i32, i32, i32) {
    %mul3A = arith.constant 4 : i32
    %mul3A_0 = arith.muli %mul3A, %arg0 : i32
    %add3A = arith.constant 2 : i32
    %add3A_1 = arith.addi %mul3A_0, %add3A : i32
    %get3A = arith.index_cast %add3A_1 : i32 to index
    %get3A_2 = memref.load %arg1[%get3A] : memref<128xi32, #tpu.memory_space<smem>>
    %c0_i32 = arith.constant 0 : i32
    %c0_i32_3 = arith.constant 0 : i32
    %c0_i32_4 = arith.constant 0 : i32
    %c0_i32_5 = arith.constant 0 : i32
    return %c0_i32, %get3A_2, %c0_i32_3, %c0_i32_4 : i32, i32, i32, i32
  }
  func.func @transform_3(%arg0: i32, %arg1: memref<128xi32, #tpu.memory_space<smem>>) -> (i32, i32, i32, i32) {
    %mul3A = arith.constant 4 : i32
    %mul3A_0 = arith.muli %mul3A, %arg0 : i32
    %add3A = arith.constant 3 : i32
    %add3A_1 = arith.addi %mul3A_0, %add3A : i32
    %get3A = arith.index_cast %add3A_1 : i32 to index
    %get3A_2 = memref.load %arg1[%get3A] : memref<128xi32, #tpu.memory_space<smem>>
    %c0_i32 = arith.constant 0 : i32
    %c0_i32_3 = arith.constant 0 : i32
    %c0_i32_4 = arith.constant 0 : i32
    %c0_i32_5 = arith.constant 0 : i32
    return %c0_i32, %get3A_2, %c0_i32_3, %c0_i32_4 : i32, i32, i32, i32
  }
  func.func @transform_4(%arg0: i32, %arg1: memref<128xi32, #tpu.memory_space<smem>>) -> (i32, i32, i32, i32) {
    %c0_i32 = arith.constant 0 : i32
    %c0_i32_0 = arith.constant 0 : i32
    %c0_i32_1 = arith.constant 0 : i32
    %c0_i32_2 = arith.constant 0 : i32
    return %c0_i32, %arg0, %c0_i32_0, %c0_i32_1 : i32, i32, i32, i32
  }
}

</mosaic_0001>

<sc_bundles>
// kernel: sparse-core-data-format-call.cloned.1.call-start
scs
called_computation_lowered:
.L_overlay_start_0:
0x0: {  	s2 =	sld [smem:$0x3FD9]  }
0x1: {  	s3 =	sld [smem:$0x3FFE];
	_ =	sdelay $0x1  }
0x2: {  	s1 =	srdreg.scid  }
0x3: {  	s0 =	sand.u32 $0x1, s1  }
0x4: {  	s18 =	sshll.u32 s0, $0xA;
	s2 =	sadd.s32 s3, s2  }
0x5: {  	s2 =	sadd.s32 s2, s18  }
0x6: {  	[smem:$0x3FC6] =	sst s2  }
0x7: {  	_ = 	snop  }
0x8: {  	s2 =	sld [smem:$0x3FD0];
	(tm) =	ssettm $0x1  }
0x9: {  	s19 =	sld [smem:$0x3FFB];
	_ =	sdelay $0x3  }
0xa: {  	_ =	strace s19  }
0xb: {  	s3 =	sld [smem:$0x3FFC];
	_ =	sdelay $0x3  }
0xc: {  	_ =	strace s3  }
0xd: {  	s3 =	sld [smem:$0x3FFD];
	_ =	sdelay $0x3  }
0xe: {  	_ =	strace s3  }
0xf: {  	_ =	strace $0x8FFFFFFF  }
0x10: {  	s20 =	sld [smem:$0x3FDB];
	_ =	sdelay $0x1  }
0x11: {  	s4 =	simm.s32 $_scs_section_size  }
0x12: {  	s5 =	simm.s32 $_size__tile_overlayer_lowered;
	s6 =	simm.s32 $_tile_overlayer_lowered  }
0x13: {  	s23 =	simm.s32 $0x1BFF;
	s22 =	sshll.u32 s6, $0x1;
	s3 =	sadd.s32 s4, s20  }
0x14: {  	s7 =	simm.s32 $0x0;
	s21 =	sshll.u32 s5, $0x1;
	s5 =	sadd.s32 s22, s3  }
0x15: {  	[timem:s7], [sflag:s23] =	dma.local [hbm:s5], s21  }
0x16: {  	_ =	swait.ge [sflag:s23], s21  }
0x17: {  	s4 =	ssub.s32 $0x0, s21;
	[sflag:s23] =	ssyncset.done $0x0  }
0x18: {  	[sflag:s23] =	ssyncadd.s32 s4;
	_ =	sdelay $0x1  }
0x19: {  	s24 =	simm.s32 $0x1B8B  }
0x1a: {  	_ =	swait.ge [sflag:s24], $0x1  }
0x1b: {  	[sflag:s24] =	ssyncset.done $0x0  }
0x1c: {  	s26 =	simm.s32 $0x1B8E;
	s25 =	sld [smem:$0x3FFE];
	[sflag:s24] =	ssyncadd.s32 $0xFFFFFFFF  }
0x1d: {  	s27 =	simm.s32 $execute0_lowered;
	[smem:$0x3FD2] =	sst s26  }
0x1e: {  	s5 =	sshll.u32 s27, $0x1;
	_ =	strace $0x80000046;
	[dreg:$0x1] =	wrdreg $0xFFFFFFFF  }
0x1f: {  	s28 =	simm.s32 $_size_execute0_lowered;
	s3 =	sadd.s32 s3, s5;
	[dreg:$0x0] =	wrdreg $0x0  }
0x20: {  	s5 =	sshll.u32 s28, $0x1;
	[dreg:$0x2] =	wrdreg s3  }
0x21: {  	[dreg:$0x3] =	wrdreg s5  }
0x22: {  	[dreg:$0x4] =	wrdreg $0xC0  }
0x23: {  	_ =	task [dreg:s7], $0x5FFFF  }
0x24: {  	[dreg:$0x1] =	wrdreg $0xFFFFFFFF  }
0x25: {  	[dreg:$0x0] =	wrdreg $0x60  }
0x26: {  	[dreg:$0x2] =	wrdreg s25  }
0x27: {  	[dreg:$0x3] =	wrdreg s2  }
0x28: {  	[dreg:$0x4] =	wrdreg $0x9  }
0x29: {  	_ =	task.clear_ibuf [dreg:s7], $0x5FFFF;
	_ =	strace $0x90000046  }
0x2a: {  	s29 =	simm.s32 $0x9;
	_ =	strace $0x80000048  }
0x2b: {  	_ =	swait.ge [sflag:s29], $0x1  }
0x2c: {  	[sflag:s29] =	ssyncadd.s32 $0xFFFFFFFF  }
0x2d: {  	_ =	strace $0x90000048  }
0x2e: {  	_ =	sfence  }
0x2f: {  	s30 =	sld [smem:$0x0];
	_ =	sdelay $0x2  }
0x30: {  	s31 =	sshll.u32 s1, $0xD;
	s1 =	sshrl.u32 s1, $0x2  }
0x31: {  	s3 =	sand.u32 $0x4000, s31;
	s1 =	sadd.s32 s1, s30  }
0x32: {  	s0 =	sor.u32 s3, s0;
	s1 =	sshll.u32 s1, $0x11  }
0x33: {  	s0 =	sor.u32 s1, s0  }
0x34: {  	s0 =	sadd.s32 $0x8F2B, s0  }
0x35: {  	[sflag:s0] =	ssyncadd.remote.s32 $0x1  }
0x36: {  	_ =	sfence.sel $0xFFFF  }
0x37: {  	[dreg:$0x0] =	wrdreg $0xFFFFFFFF;
	(pc) =	sbr.abs _section_cstart, $3  }
0x38: {  	[dreg:$0x1] =	wrdreg $0xFFFFFFFF  }
0x39: {  	_ =	task.clear_ibuf [dreg:s7], $0x2FFFF;
	_ =	strace $0x9FFFFFFF  }
0x3a: {  	(tm) =	ssettm $0x7FFFFFFF  }
0x3b: {  	_ =	shalt  }
tec
execute0_lowered:
.L_overlay_start_1:
0x0: {  	(tag) =	ssettag $0x1  }
0x1: {  	s0 =	srdreg.scid  }
0x2: {  	s1 =	sshll.u32 s0, $0x4  }
0x3: {  	s4 =	rddreg [dreg:$0x0];
	s0 =	stileid.u32;
	s1 =	sand.u32 $0x10, s1  }
0x4: {  	s2 =	rddreg [dreg:$0x1];
	s7 =	simm.s32 $0x1;
	s1 =	sor.u32 s0, s1  }
0x5: {  	s8 =	simm.s32 $0x2;
	s11 =	simm.s32 $0x0;
	s3 =	sshll.u32 s1, $0x1  }
0x6: {  	s10 =	simm.s32 $0x0;
	s4 =	sadd.s32 $0x800600, s4;
	s6 =	ssub.s32 $0x1000, s3  }
.Ltmp0:
0x7: {  	s1 =	rddreg [dreg:$0x2];
	s5 =	sand.u32 $0x3E, s6;
	(pc) =	sbr.rel .LBB1_1-.Ltmp0, $4  }
0x8: {  	_ =	strace $0x80000047;
	s9 =	smov.u32 s3;
	p0 =	sne.s32 s5, $0x0  }
0x9: {  	s6 =	sshrl.u32 s6, $0x6;
	s5 =	simm.s32 $0x1;
	s7 =	simm.s32 @!p0 $0x0  }
0xa: {  	[sflag:s5] =	ssyncpa.u1 $0x0;
	p0 =	por $0x0, $0x0;
	s6 =	sadd.s32 s7, s6  }
0xb: {  	[sflag:s8] =	ssyncpa.u1 $0x0;
	s8 =	simm.s32 $0x0;
	s7 =	sadd.s32 $0x1, s6  }
.LBB1_7:
0xc: {  	s13 =	sadd.s32 $0x40, s9  }
0xd: {  	p2 =	sgt.s32 s13, $0xFFF  }
0xe: {  	s13 =	smov.u32 @p2 s3;
	p2 =	sne.s32 s10, s7  }
.Ltmp1:
0xf: {  	p1 =	slt.u32 s10, $0x2;
	(pc) =	sbr.rel @!p2 .LBB1_8-.Ltmp1, $4  }
0x10: {  	s12 =	simm.s32 @!p1 $0x2  }
0x11: {  	s14 =	sadd.s32 $0x1, s10;
	_ =	swait.ge @!p1 [sflag:s12], $0x4000  }
0x12: {  	s11 =	smov.u32 s9;
	p0 =	por !p0, !p0;
	[sflag:s12] =	ssyncset.done @!p1 $0x0  }
0x13: {  	s10 =	smov.u32 s14;
	s9 =	smov.u32 s13;
	[sflag:s12] =	ssyncadd.s32 @!p1 $0xFFFFC000  }
.LBB1_1:
0x14: {  	p1 =	sge.u32 s10, s6  }
0x15: {  	s31 =	sadd.s32 $0xFFFFFFFF, s10;
	s12 =	sxor.u32 @!p1 $0xFFFFFFFF, s10  }
0x16: {  	s13 =	sshll.u32 @!p1 s9, $0xB;
	s14 =	simm.s32 @!p1 $0x40;
	s12 =	sshll.u32 @!p1 s12, $0xE  }
0x17: {  	s15 =	simm.s32 @!p1 $0x80;
	s13 =	sadd.s32 @!p1 s4, s13;
	s12 =	sand.u32 @!p1 $0x4000, s12  }
0x18: {  	[tilespmem:s12], [sflag:$0x1] =	stream.strided.gather @!p1 [hbm4b:s13+s14], $0x4000, s15, s14, $0x38;
	[tilespmem:$0x10100] =	vst v63  }
0x19: {  	p1 =	sge.u32 s31, s6  }
.Ltmp2:
0x1a: {  	_ = 	snop;
	(pc) =	sbr.rel @p1 .LBB1_7-.Ltmp2, $1  }
0x1b: {  	_ =	sdelay $0x3  }
0x1c: {  	s12 =	simm.s32 $0x1;
	s14 =	sand.u32 $0x1, s10  }
0x1d: {  	_ =	swait.ge [sflag:s5], $0x4000;
	s12 =	simm.s32 @!p0 $0x0;
	s14 =	smul.u32 $0x10200, s14  }
0x1e: {  	p2 =	por $0x1, $0x1;
	[sflag:s5] =	ssyncset.done $0x0;
	s13 =	smul.u32 $0x10200, s12  }
0x1f: {  	s15 =	sshll.u32 s12, $0x10;
	[sflag:s5] =	ssyncadd.s32 $0xFFFFC000;
	s30 =	sshrl.u32 s14, $0x2  }
0x20: {  	s31 =	sshrl.u32 s15, $0x2;
	s15 =	simm.s32 $0x0;
	s13 =	sshrl.u32 s13, $0x2  }
0x21: {  	s12 =	sor.u32 $0x8000, s30;
	s14 =	sadd.s32 $0x20, s31;
	s13 =	sor.u32 $0x8000, s13  }
.LBB1_3:
0x22: {  	s16 =	sshll.u32 s15, $0xD  }
0x23: {  	s16 =	sand.u32 $0x3FFFE000, s16  }
0x24: {  	s18 =	sadd.s32 s16, s14  }
0x25: {  	s31 =	smul.u32 $0x8100, s15;
	v3 =	vld [tilespmem:s18+$0x10]  }
0x26: {  	v1 =	vld [tilespmem:s18+$0xFFFFFFF0]  }
0x27: {  	s15 =	sshra.s32 s31, $0x2;
	v0 =	vld [tilespmem:s18+$0x0]  }
0x28: {  	s15 =	sadd.s32 s15, s13;
	v2 =	vld [tilespmem:s18+$0xFFFFFFE0]  }
0x29: {  	s16 =	sadd.s32 $0x0, s15  }
0x2a: {  	p1 =	por p2, p2;
	s17 =	simm.s32 $0x4;
	s18 =	sadd.s32 $0x40, s18;
	[tilespmem:s16+$0x1830 ss:$0x81] =	vst.msk $0xffff, v3  }
.LBB1_4:
0x2b: {  	v3 =	vld [tilespmem:s18+$0x10];
	p2 =	sne.s32 s17, $0x1FC;
	[tilespmem:s16+$0x810 ss:$0x81] =	vst.msk $0xffff, v1;
	s19 =	smov.u32 s17;
	s17 =	sadd.s32 $0x4, s17  }
.Ltmp3:
0x2c: {  	v1 =	vld [tilespmem:s18+$0xFFFFFFF0];
	[tilespmem:s16+$0x1020 ss:$0x81] =	vst.msk $0xffff, v0;
	(pc) =	sbr.rel @p2 .LBB1_4-.Ltmp3, $4  }
0x2d: {  	v0 =	vld [tilespmem:s18+$0x0];
	[tilespmem:s16+$0x0 ss:$0x81] =	vst.msk $0xffff, v2  }
0x2e: {  	s16 =	sshra.s32 s19, $0x2;
	v2 =	vld [tilespmem:s18+$0xFFFFFFE0]  }
0x2f: {  	s16 =	sadd.s32 s16, s15  }
0x30: {  	s18 =	sadd.s32 $0x40, s18;
	[tilespmem:s16+$0x1830 ss:$0x81] =	vst.msk $0xffff, v3  }
.Ltmp4:
0x31: {  	(pc) =	sbr.rel @p1 .LBB1_3-.Ltmp4, $4  }
0x32: {  	_ = 	snop  }
0x33: {  	[tilespmem:s16+$0x810 ss:$0x81] =	vst.msk $0xffff, v1  }
0x34: {  	[tilespmem:s16+$0x1020 ss:$0x81] =	vst.msk $0xffff, v0  }
0x35: {  	s15 =	simm.s32 $0x1;
	p2 =	por $0x0, $0x0;
	[tilespmem:s16+$0x0 ss:$0x81] =	vst.msk $0xffff, v2  }
.Ltmp5:
0x36: {  	(pc) =	sbr.rel .LBB1_7-.Ltmp5, $4  }
0x37: {  	_ = 	snop  }
0x38: {  	s11 =	sshll.u32 s11, $0xA  }
0x39: {  	s11 =	sadd.s32 s2, s11  }
0x3a: {  	[hbm4b:s11+s8] =	stream.linear.scatter [tilespmem:s12], [sflag:$0x2], $0x4000, $0x20;
	[tilespmem:$0x10100] =	vst v63  }
.LBB1_8:
0x3b: {  	_ =	sfence.sel $0x180000  }
0x3c: {  	s2 =	simm.s32 $0x1;
	[bflag:$0x0] =	sbarrier.arrive $0xFFFF  }
0x3d: {  	s31 =	simm.s32 $0x2;
	[sflag:s2] =	ssyncpa.u1 $0x1  }
0x3e: {  	[sflag:s31] =	ssyncpa.u1 $0x1  }
0x3f: {  	p0 =	sne.s32 s0, $0x0;
	_ =	strace $0x90000047  }
0x40: {  	s0 =	sadd.s32 @!p0 $0x100000, s1;
	[bflag:$0x2] =	sbarrier.arrive $0xFFFF  }
0x41: {  	[sflag:s0] =	ssyncadd.tile.s32 @!p0 $0x1;
	_ =	shalt  }
.Lfunc_end1:
_tile_overlayer_lowered:
.L_overlay_start_2:
0x42: {  	(tag) =	ssettag $0x2  }
0x43: {  	s0 =	rddreg [dreg:$0x0];
	s2 =	stileid.u32  }
0x44: {  	s1 =	rddreg [dreg:$0x1];
	p0 =	sne.s32 s2, $0x0  }
0x45: {  	s3 =	rddreg [dreg:$0x2];
	[bflag:$0x3] =	sbarrier.arrive $0xFFFF;
	s2 =	simm.s32 @!p0 $0x1C01  }
0x46: {  	[timem:s3], [sflag:s2] =	dma.local @!p0 [hbm:s0], s1  }
0x47: {  	s0 =	simm.s32 @!p0 $0x1  }
0x48: {  	_ =	swait.ge @!p0 [sflag:s0], s1  }
0x49: {  	s1 =	ssub.s32 @!p0 $0x0, s1;
	[sflag:s0] =	ssyncset.done @!p0 $0x0  }
0x4a: {  	[sflag:s0] =	ssyncadd.s32 @!p0 s1  }
0x4b: {  	[bflag:$0x3] =	sbarrier.arrive $0xFFFF  }
0x4c: {  	_ =	shalt  }

</sc_bundles>
